<compile_context>
chip_gen: v7x
topology: tpu7x:2x2x1
jax: 0.10.2.dev20260603
libtpu: 0.0.44.dev20260713+nightly
codegen_flags: <defaults>
</compile_context>

<pallas_src>
import functools
import jax
import jax.numpy as jnp
from jax import lax
from jax.experimental import pallas as pl
from jax.experimental.pallas import tpu as pltpu
from jax.experimental.pallas import tpu_sc as plsc

_N = 100000
_D = 128

_SC_ROWS = 4000
_TC_ROWS = _N - _SC_ROWS

_CHUNK = 2000
_NBUF = 4
_NCHUNKS = _TC_ROWS // _CHUNK
_ROUNDS = _NCHUNKS // _NBUF
_TAIL = _NCHUNKS - _ROUNDS * _NBUF

_NC = 2
_NS = 16
_NW = _NC * _NS
_SC_ROWS_PER_W = _SC_ROWS // _NW
_SC_CHUNK_ROWS = 125
_SC_CHUNK_ELEMS = _SC_CHUNK_ROWS * _D
_SC_CHUNKS_PER_W = _SC_ROWS_PER_W // _SC_CHUNK_ROWS
_SC_VECS = _SC_CHUNK_ELEMS // 16


def _tc_copy(hbm_ref, buf_ref, sem, chunk, slot):
    return pltpu.make_async_copy(
        hbm_ref.at[pl.ds(chunk * _CHUNK, _CHUNK), :],
        buf_ref.at[slot],
        sem.at[slot],
    )


def _tc_kernel(last_ref, a_hbm, b_hbm, out_ref, a_buf, b_buf, a_sem, b_sem):
    for s in range(_NBUF):
        _tc_copy(a_hbm, a_buf, a_sem, s, s).start()
        _tc_copy(b_hbm, b_buf, b_sem, s, s).start()

    def process(g, slot, acc):
        _tc_copy(a_hbm, a_buf, a_sem, g, slot).wait()
        _tc_copy(b_hbm, b_buf, b_sem, g, slot).wait()
        t = a_buf[slot] * b_buf[slot]
        part = jnp.sum((t * t).reshape(_CHUNK // 8, 8, _D), axis=0)

        nxt = g + _NBUF

        @pl.when(nxt < _NCHUNKS)
        def _refill():
            _tc_copy(a_hbm, a_buf, a_sem, nxt, slot).start()
            _tc_copy(b_hbm, b_buf, b_sem, nxt, slot).start()

        return acc + part

    def round_body(r, acc):
        for s in range(_NBUF):
            acc = process(r * _NBUF + s, s, acc)
        return acc

    acc = lax.fori_loop(0, _ROUNDS, round_body, jnp.zeros((8, _D), jnp.float32))
    for s in range(_TAIL):
        acc = process(_ROUNDS * _NBUF + s, s, acc)

    denom = (last_ref[0] + 1).astype(jnp.float32)
    out_ref[...] = (jnp.sum(acc) / denom).reshape(1, 1)


def _tc_partial(last, a, b):
    return pl.pallas_call(
        _tc_kernel,
        in_specs=[
            pl.BlockSpec(memory_space=pltpu.MemorySpace.SMEM),
            pl.BlockSpec(memory_space=pltpu.MemorySpace.HBM),
            pl.BlockSpec(memory_space=pltpu.MemorySpace.HBM),
        ],
        out_specs=pl.BlockSpec(memory_space=pltpu.MemorySpace.VMEM),
        out_shape=jax.ShapeDtypeStruct((1, 1), jnp.float32),
        scratch_shapes=[
            pltpu.VMEM((_NBUF, _CHUNK, _D), jnp.float32),
            pltpu.VMEM((_NBUF, _CHUNK, _D), jnp.float32),
            pltpu.SemaphoreType.DMA((_NBUF,)),
            pltpu.SemaphoreType.DMA((_NBUF,)),
        ],
    )(last, a, b)


def _sc_partials(a_flat, b_flat):
    mesh = plsc.VectorSubcoreMesh(core_axis_name="c", subcore_axis_name="s")

    @functools.partial(
        pl.kernel,
        mesh=mesh,
        out_type=jax.ShapeDtypeStruct((_NW * 16,), jnp.float32),
        scratch_types=[
            pltpu.VMEM((_SC_CHUNK_ELEMS,), jnp.float32),
            pltpu.VMEM((_SC_CHUNK_ELEMS,), jnp.float32),
            pltpu.VMEM((16,), jnp.float32),
        ],
    )
    def k(a_hbm, b_hbm, out_hbm, a_v, b_v, acc_v):
        wid = lax.axis_index("s") * _NC + lax.axis_index("c")
        wbase = (_TC_ROWS + wid * _SC_ROWS_PER_W) * _D

        def chunk_body(ci, acc):
            base = wbase + ci * _SC_CHUNK_ELEMS
            pltpu.sync_copy(a_hbm.at[pl.ds(base, _SC_CHUNK_ELEMS)], a_v)
            pltpu.sync_copy(b_hbm.at[pl.ds(base, _SC_CHUNK_ELEMS)], b_v)

            def vec_body(i, acc_in):
                va = a_v[pl.ds(i * 16, 16)]
                vb = b_v[pl.ds(i * 16, 16)]
                t = va * vb
                return acc_in + t * t

            return lax.fori_loop(0, _SC_VECS, vec_body, acc)

        acc = lax.fori_loop(0, _SC_CHUNKS_PER_W, chunk_body,
                            jnp.zeros((16,), jnp.float32))
        acc_v[...] = acc
        pltpu.sync_copy(acc_v, out_hbm.at[pl.ds(wid * 16, 16)])

    return k(a_flat, b_flat)


def kernel(dx_dt, d2x_dt2, batch):
    last = batch[-1:].astype(jnp.int32)

    sc_parts = _sc_partials(dx_dt.reshape(-1), d2x_dt2.reshape(-1))
    tc_out = _tc_partial(last, dx_dt, d2x_dt2)

    denom = (batch[-1] + 1).astype(jnp.float32)
    return tc_out[0, 0] + jnp.sum(sc_parts) / denom

# --- scband reference (transcript-rebuilt; emitter-appended) ---
"""Pipeline reference for scband-arc-length-loss-40475771797583 (READ-ONLY COPY).

The authoritative reference and input builder live on the scoring server;
editing this copy changes nothing except your own understanding.
"""

import jax, jax.numpy as jnp
import numpy as np

N = 100000
D = 128
NUM_GRAPHS = 64


def setup_inputs(seed: int = 0) -> dict:
    key = jax.random.key(seed)
    k1, k2, k3 = jax.random.split(key, 3)
    dx_dt = jax.random.normal(k1, (N, D), dtype=jnp.float32)
    d2x_dt2 = jax.random.normal(k2, (N, D), dtype=jnp.float32)
    batch = jnp.sort(jax.random.randint(k3, (N,), 0, NUM_GRAPHS, dtype=jnp.int64))
    return {"dx_dt": dx_dt, "d2x_dt2": d2x_dt2, "batch": batch}


def reference(dx_dt, d2x_dt2, batch):
    # args = ((dx_dt * d2x_dt2) ** 2).sum(dim=1)
    args = jnp.sum((dx_dt * d2x_dt2) ** 2, axis=1)
    # scatter_sum over graph index; batch values are in [0, NUM_GRAPHS), so
    # NUM_GRAPHS is a static upper bound and segments >= batch[-1]+1 are zero.
    dim_size = batch[-1] + 1
    loss_graph = jax.ops.segment_sum(args, batch, num_segments=NUM_GRAPHS)
    loss = jnp.sum(loss_graph) / dim_size.astype(loss_graph.dtype)
    return loss

if __name__ == "__main__":
    import jax
    _d = setup_inputs()
    print(jax.jit(kernel)(*tuple(_d.values())))

</pallas_src>

<mosaic_0001>
#map = affine_map<(d0, d1) -> (0)>
module attributes {stable_mosaic.version = 14 : i64} {
  func.func @k(%arg0: i32, %arg1: i32, %arg2: memref<12800000xf32, #tpu.memory_space<hbm>>, %arg3: memref<12800000xf32, #tpu.memory_space<hbm>>, %arg4: memref<512xf32, #tpu.memory_space<hbm>>, %arg5: memref<16000xf32, #tpu.memory_space<vmem>>, %arg6: memref<16000xf32, #tpu.memory_space<vmem>>, %arg7: memref<16xf32, #tpu.memory_space<vmem>>) attributes {dimension_semantics = [#tpu.dimension_semantics<core_parallel>, #tpu.dimension_semantics<subcore_parallel>], iteration_bounds = array<i64: 2, 16>, scalar_prefetch = 0 : i64, scratch_operands = 3 : i64, tpu.core_type = #tpu.core_type<sc_vector_subcore>, window_params = [{transform_indices = #map}, {transform_indices = #map}, {transform_indices = #map}]} {
    %mul3A = arith.constant 2 : i32
    %mul3A_0 = arith.muli %arg1, %mul3A : i32
    %add3A = arith.addi %mul3A_0, %arg0 : i32
    %mul3A_1 = arith.constant 125 : i32
    %mul3A_2 = arith.muli %add3A, %mul3A_1 : i32
    %add3A_3 = arith.constant 96000 : i32
    %add3A_4 = arith.addi %add3A_3, %mul3A_2 : i32
    %mul3A_5 = arith.constant 128 : i32
    %mul3A_6 = arith.muli %add3A_4, %mul3A_5 : i32
    %broadcast_in_dim3A = arith.constant 0.000000e+00 : f32
    %broadcast_in_dim3A_7 = vector.broadcast %broadcast_in_dim3A : f32 to vector<16xf32>
    %scan3A = arith.constant 0 : i32
    %mul3A_8 = arith.constant 16000 : i32
    %mul3A_9 = arith.muli %scan3A, %mul3A_8 : i32
    %add3A_10 = arith.addi %mul3A_6, %mul3A_9 : i32
    "tpu.region"() ({
      %run_scoped3A = tpu.sem_alloc : memref<!tpu.dma_semaphore, #tpu.memory_space<semaphore_mem>>
      %dma_start3A = tpu.memref_slice %arg2[%add3A_10] : memref<12800000xf32, #tpu.memory_space<hbm>> -> memref<16000xf32, #tpu.memory_space<hbm>>
      %dma_start3A_23 = tpu.memref_slice %arg2[%add3A_10] : memref<12800000xf32, #tpu.memory_space<hbm>> -> memref<16000xf32, #tpu.memory_space<hbm>>
      tpu.enqueue_dma source(%dma_start3A_23 : memref<16000xf32, #tpu.memory_space<hbm>>) target(%arg5 : memref<16000xf32, #tpu.memory_space<vmem>>) target_semaphore(%run_scoped3A : memref<!tpu.dma_semaphore, #tpu.memory_space<semaphore_mem>>)
      %dma_wait3A = tpu.memref_slice %arg2[%add3A_10] : memref<12800000xf32, #tpu.memory_space<hbm>> -> memref<16000xf32, #tpu.memory_space<hbm>>
      %dma_wait3A_24 = tpu.memref_slice %arg2[%add3A_10] : memref<12800000xf32, #tpu.memory_space<hbm>> -> memref<16000xf32, #tpu.memory_space<hbm>>
      tpu.wait_dma2 semaphore(%run_scoped3A : memref<!tpu.dma_semaphore, #tpu.memory_space<semaphore_mem>>) src(%dma_wait3A_24 : memref<16000xf32, #tpu.memory_space<hbm>>) dst(%arg5 : memref<16000xf32, #tpu.memory_space<vmem>>)
      tpu.yield
    }) : () -> ()
    "tpu.region"() ({
      %run_scoped3A = tpu.sem_alloc : memref<!tpu.dma_semaphore, #tpu.memory_space<semaphore_mem>>
      %dma_start3A = tpu.memref_slice %arg3[%add3A_10] : memref<12800000xf32, #tpu.memory_space<hbm>> -> memref<16000xf32, #tpu.memory_space<hbm>>
      %dma_start3A_23 = tpu.memref_slice %arg3[%add3A_10] : memref<12800000xf32, #tpu.memory_space<hbm>> -> memref<16000xf32, #tpu.memory_space<hbm>>
      tpu.enqueue_dma source(%dma_start3A_23 : memref<16000xf32, #tpu.memory_space<hbm>>) target(%arg6 : memref<16000xf32, #tpu.memory_space<vmem>>) target_semaphore(%run_scoped3A : memref<!tpu.dma_semaphore, #tpu.memory_space<semaphore_mem>>)
      %dma_wait3A = tpu.memref_slice %arg3[%add3A_10] : memref<12800000xf32, #tpu.memory_space<hbm>> -> memref<16000xf32, #tpu.memory_space<hbm>>
      %dma_wait3A_24 = tpu.memref_slice %arg3[%add3A_10] : memref<12800000xf32, #tpu.memory_space<hbm>> -> memref<16000xf32, #tpu.memory_space<hbm>>
      tpu.wait_dma2 semaphore(%run_scoped3A : memref<!tpu.dma_semaphore, #tpu.memory_space<semaphore_mem>>) src(%dma_wait3A_24 : memref<16000xf32, #tpu.memory_space<hbm>>) dst(%arg6 : memref<16000xf32, #tpu.memory_space<vmem>>)
      tpu.yield
    }) : () -> ()
    %scan3A_11 = arith.constant 0 : i32
    %scan3A_12 = arith.constant 1000 : i32
    %scan3A_13 = arith.addi %scan3A_11, %scan3A_12 : i32
    %scan3A_14 = arith.constant 1 : i32
    %scan3A_15 = scf.for %scan3A_23 = %scan3A_11 to %scan3A_13 step %scan3A_14 iter_args(%scan3A_24 = %broadcast_in_dim3A_7) -> (vector<16xf32>)  : i32 {
      %mul3A_25 = arith.constant 16 : i32
      %mul3A_26 = arith.muli %scan3A_23, %mul3A_25 : i32
      %get3A = arith.index_cast %mul3A_26 : i32 to index
      %get3A_27 = tpu.vector_load %arg5[%get3A] {strides = array<i32>} : memref<16000xf32, #tpu.memory_space<vmem>>, vector<16xf32>,
      %get3A_28 = vector.shape_cast %get3A_27 : vector<16xf32> to vector<16xf32>
      %mul3A_29 = arith.constant 16 : i32
      %mul3A_30 = arith.muli %scan3A_23, %mul3A_29 : i32
      %get3A_31 = arith.index_cast %mul3A_30 : i32 to index
      %get3A_32 = tpu.vector_load %arg6[%get3A_31] {strides = array<i32>} : memref<16000xf32, #tpu.memory_space<vmem>>, vector<16xf32>,
      %get3A_33 = vector.shape_cast %get3A_32 : vector<16xf32> to vector<16xf32>
      %mul3A_34 = arith.mulf %get3A_28, %get3A_33 : vector<16xf32>
      %mul3A_35 = arith.mulf %mul3A_34, %mul3A_34 : vector<16xf32>
      %add3A_36 = arith.addf %scan3A_24, %mul3A_35 : vector<16xf32>
      scf.yield %add3A_36 : vector<16xf32>
    }
    %scan3A_16 = arith.constant 1000 : i32
    %scan3A_17 = arith.constant 1 : i32
    %swap3A = arith.constant 0 : index
    %swap3A_18 = tpu.vector_load %arg7[%swap3A] {strides = array<i32>} : memref<16xf32, #tpu.memory_space<vmem>>, vector<16xf32>,
    %swap3A_19 = vector.shape_cast %swap3A_18 : vector<16xf32> to vector<16xf32>
    %swap3A_20 = vector.shape_cast %scan3A_15 : vector<16xf32> to vector<16xf32>
    tpu.vector_store %arg7[%swap3A], %swap3A_20 {strides = array<i32>} : memref<16xf32, #tpu.memory_space<vmem>>, vector<16xf32>,
    %mul3A_21 = arith.constant 16 : i32
    %mul3A_22 = arith.muli %add3A, %mul3A_21 : i32
    "tpu.region"() ({
      %run_scoped3A = tpu.sem_alloc : memref<!tpu.dma_semaphore, #tpu.memory_space<semaphore_mem>>
      %dma_start3A = tpu.memref_slice %arg4[%mul3A_22] : memref<512xf32, #tpu.memory_space<hbm>> -> memref<16xf32, #tpu.memory_space<hbm>>
      %dma_start3A_23 = tpu.memref_slice %arg4[%mul3A_22] : memref<512xf32, #tpu.memory_space<hbm>> -> memref<16xf32, #tpu.memory_space<hbm>>
      tpu.enqueue_dma source(%arg7 : memref<16xf32, #tpu.memory_space<vmem>>) target(%dma_start3A_23 : memref<16xf32, #tpu.memory_space<hbm>>) target_semaphore(%run_scoped3A : memref<!tpu.dma_semaphore, #tpu.memory_space<semaphore_mem>>)
      %dma_wait3A = tpu.memref_slice %arg4[%mul3A_22] : memref<512xf32, #tpu.memory_space<hbm>> -> memref<16xf32, #tpu.memory_space<hbm>>
      %dma_wait3A_24 = tpu.memref_slice %arg4[%mul3A_22] : memref<512xf32, #tpu.memory_space<hbm>> -> memref<16xf32, #tpu.memory_space<hbm>>
      tpu.wait_dma2 semaphore(%run_scoped3A : memref<!tpu.dma_semaphore, #tpu.memory_space<semaphore_mem>>) src(%arg7 : memref<16xf32, #tpu.memory_space<vmem>>) dst(%dma_wait3A_24 : memref<16xf32, #tpu.memory_space<hbm>>)
      tpu.yield
    }) : () -> ()
    return
  }
}

module attributes {stable_mosaic.version = 14 : i64} {
  func.func @_tc_kernel(%arg0: memref<1xi32, #tpu.memory_space<smem>>, %arg1: memref<100000x128xf32, #tpu.memory_space<hbm>>, %arg2: memref<100000x128xf32, #tpu.memory_space<hbm>>, %arg3: memref<1x1xf32, #tpu.memory_space<vmem>>, %arg4: memref<4x2000x128xf32, #tpu.memory_space<vmem>>, %arg5: memref<4x2000x128xf32, #tpu.memory_space<vmem>>, %arg6: memref<4x!tpu.dma_semaphore, #tpu.memory_space<semaphore_mem>>, %arg7: memref<4x!tpu.dma_semaphore, #tpu.memory_space<semaphore_mem>>) attributes {dimension_semantics = [], scalar_prefetch = 0 : i64, scratch_operands = 4 : i64, tpu.core_type = #tpu.core_type<tc>} {
    %dma_start3A = arith.constant 0 : i32
    %dma_start3A_0 = arith.constant 0 : i32
    %dma_start3A_1 = tpu.memref_slice %arg6[%dma_start3A_0] : memref<4x!tpu.dma_semaphore, #tpu.memory_space<semaphore_mem>> -> memref<1x!tpu.dma_semaphore, #tpu.memory_space<semaphore_mem>>
    %dma_start3A_2 = tpu.memref_squeeze %dma_start3A_1 : memref<1x!tpu.dma_semaphore, #tpu.memory_space<semaphore_mem>> -> memref<!tpu.dma_semaphore, #tpu.memory_space<semaphore_mem>>
    %dma_start3A_3 = arith.constant 0 : i32
    %dma_start3A_4 = arith.constant 0 : i32
    %dma_start3A_5 = tpu.memref_slice %arg4[%dma_start3A, %dma_start3A_3, %dma_start3A_4] : memref<4x2000x128xf32, #tpu.memory_space<vmem>> -> memref<1x2000x128xf32, #tpu.memory_space<vmem>>
    %dma_start3A_6 = tpu.memref_squeeze %dma_start3A_5 : memref<1x2000x128xf32, #tpu.memory_space<vmem>> -> memref<2000x128xf32, #tpu.memory_space<vmem>>
    %dma_start3A_7 = arith.constant 0 : i32
    %dma_start3A_8 = arith.constant 0 : i32
    %dma_start3A_9 = tpu.memref_slice %arg1[%dma_start3A_7, %dma_start3A_8] : memref<100000x128xf32, #tpu.memory_space<hbm>> -> memref<2000x128xf32, #tpu.memory_space<hbm>>
    tpu.enqueue_dma source(%dma_start3A_9 : memref<2000x128xf32, #tpu.memory_space<hbm>>) target(%dma_start3A_6 : memref<2000x128xf32, #tpu.memory_space<vmem>>) target_semaphore(%dma_start3A_2 : memref<!tpu.dma_semaphore, #tpu.memory_space<semaphore_mem>>)
    %dma_start3A_10 = arith.constant 0 : i32
    %dma_start3A_11 = arith.constant 0 : i32
    %dma_start3A_12 = tpu.memref_slice %arg7[%dma_start3A_11] : memref<4x!tpu.dma_semaphore, #tpu.memory_space<semaphore_mem>> -> memref<1x!tpu.dma_semaphore, #tpu.memory_space<semaphore_mem>>
    %dma_start3A_13 = tpu.memref_squeeze %dma_start3A_12 : memref<1x!tpu.dma_semaphore, #tpu.memory_space<semaphore_mem>> -> memref<!tpu.dma_semaphore, #tpu.memory_space<semaphore_mem>>
    %dma_start3A_14 = arith.constant 0 : i32
    %dma_start3A_15 = arith.constant 0 : i32
    %dma_start3A_16 = tpu.memref_slice %arg5[%dma_start3A_10, %dma_start3A_14, %dma_start3A_15] : memref<4x2000x128xf32, #tpu.memory_space<vmem>> -> memref<1x2000x128xf32, #tpu.memory_space<vmem>>
    %dma_start3A_17 = tpu.memref_squeeze %dma_start3A_16 : memref<1x2000x128xf32, #tpu.memory_space<vmem>> -> memref<2000x128xf32, #tpu.memory_space<vmem>>
    %dma_start3A_18 = arith.constant 0 : i32
    %dma_start3A_19 = arith.constant 0 : i32
    %dma_start3A_20 = tpu.memref_slice %arg2[%dma_start3A_18, %dma_start3A_19] : memref<100000x128xf32, #tpu.memory_space<hbm>> -> memref<2000x128xf32, #tpu.memory_space<hbm>>
    tpu.enqueue_dma source(%dma_start3A_20 : memref<2000x128xf32, #tpu.memory_space<hbm>>) target(%dma_start3A_17 : memref<2000x128xf32, #tpu.memory_space<vmem>>) target_semaphore(%dma_start3A_13 : memref<!tpu.dma_semaphore, #tpu.memory_space<semaphore_mem>>)
    %dma_start3A_21 = arith.constant 1 : i32
    %dma_start3A_22 = arith.constant 1 : i32
    %dma_start3A_23 = tpu.memref_slice %arg6[%dma_start3A_22] : memref<4x!tpu.dma_semaphore, #tpu.memory_space<semaphore_mem>> -> memref<1x!tpu.dma_semaphore, #tpu.memory_space<semaphore_mem>>
    %dma_start3A_24 = tpu.memref_squeeze %dma_start3A_23 : memref<1x!tpu.dma_semaphore, #tpu.memory_space<semaphore_mem>> -> memref<!tpu.dma_semaphore, #tpu.memory_space<semaphore_mem>>
    %dma_start3A_25 = arith.constant 0 : i32
    %dma_start3A_26 = arith.constant 0 : i32
    %dma_start3A_27 = tpu.memref_slice %arg4[%dma_start3A_21, %dma_start3A_25, %dma_start3A_26] : memref<4x2000x128xf32, #tpu.memory_space<vmem>> -> memref<1x2000x128xf32, #tpu.memory_space<vmem>>
    %dma_start3A_28 = tpu.memref_squeeze %dma_start3A_27 : memref<1x2000x128xf32, #tpu.memory_space<vmem>> -> memref<2000x128xf32, #tpu.memory_space<vmem>>
    %dma_start3A_29 = arith.constant 2000 : i32
    %dma_start3A_30 = arith.constant 0 : i32
    %dma_start3A_31 = tpu.memref_slice %arg1[%dma_start3A_29, %dma_start3A_30] : memref<100000x128xf32, #tpu.memory_space<hbm>> -> memref<2000x128xf32, #tpu.memory_space<hbm>>
    tpu.enqueue_dma source(%dma_start3A_31 : memref<2000x128xf32, #tpu.memory_space<hbm>>) target(%dma_start3A_28 : memref<2000x128xf32, #tpu.memory_space<vmem>>) target_semaphore(%dma_start3A_24 : memref<!tpu.dma_semaphore, #tpu.memory_space<semaphore_mem>>)
    %dma_start3A_32 = arith.constant 1 : i32
    %dma_start3A_33 = arith.constant 1 : i32
    %dma_start3A_34 = tpu.memref_slice %arg7[%dma_start3A_33] : memref<4x!tpu.dma_semaphore, #tpu.memory_space<semaphore_mem>> -> memref<1x!tpu.dma_semaphore, #tpu.memory_space<semaphore_mem>>
    %dma_start3A_35 = tpu.memref_squeeze %dma_start3A_34 : memref<1x!tpu.dma_semaphore, #tpu.memory_space<semaphore_mem>> -> memref<!tpu.dma_semaphore, #tpu.memory_space<semaphore_mem>>
    %dma_start3A_36 = arith.constant 0 : i32
    %dma_start3A_37 = arith.constant 0 : i32
    %dma_start3A_38 = tpu.memref_slice %arg5[%dma_start3A_32, %dma_start3A_36, %dma_start3A_37] : memref<4x2000x128xf32, #tpu.memory_space<vmem>> -> memref<1x2000x128xf32, #tpu.memory_space<vmem>>
    %dma_start3A_39 = tpu.memref_squeeze %dma_start3A_38 : memref<1x2000x128xf32, #tpu.memory_space<vmem>> -> memref<2000x128xf32, #tpu.memory_space<vmem>>
    %dma_start3A_40 = arith.constant 2000 : i32
    %dma_start3A_41 = arith.constant 0 : i32
    %dma_start3A_42 = tpu.memref_slice %arg2[%dma_start3A_40, %dma_start3A_41] : memref<100000x128xf32, #tpu.memory_space<hbm>> -> memref<2000x128xf32, #tpu.memory_space<hbm>>
    tpu.enqueue_dma source(%dma_start3A_42 : memref<2000x128xf32, #tpu.memory_space<hbm>>) target(%dma_start3A_39 : memref<2000x128xf32, #tpu.memory_space<vmem>>) target_semaphore(%dma_start3A_35 : memref<!tpu.dma_semaphore, #tpu.memory_space<semaphore_mem>>)
    %dma_start3A_43 = arith.constant 2 : i32
    %dma_start3A_44 = arith.constant 2 : i32
    %dma_start3A_45 = tpu.memref_slice %arg6[%dma_start3A_44] : memref<4x!tpu.dma_semaphore, #tpu.memory_space<semaphore_mem>> -> memref<1x!tpu.dma_semaphore, #tpu.memory_space<semaphore_mem>>
    %dma_start3A_46 = tpu.memref_squeeze %dma_start3A_45 : memref<1x!tpu.dma_semaphore, #tpu.memory_space<semaphore_mem>> -> memref<!tpu.dma_semaphore, #tpu.memory_space<semaphore_mem>>
    %dma_start3A_47 = arith.constant 0 : i32
    %dma_start3A_48 = arith.constant 0 : i32
    %dma_start3A_49 = tpu.memref_slice %arg4[%dma_start3A_43, %dma_start3A_47, %dma_start3A_48] : memref<4x2000x128xf32, #tpu.memory_space<vmem>> -> memref<1x2000x128xf32, #tpu.memory_space<vmem>>
    %dma_start3A_50 = tpu.memref_squeeze %dma_start3A_49 : memref<1x2000x128xf32, #tpu.memory_space<vmem>> -> memref<2000x128xf32, #tpu.memory_space<vmem>>
    %dma_start3A_51 = arith.constant 4000 : i32
    %dma_start3A_52 = arith.constant 0 : i32
    %dma_start3A_53 = tpu.memref_slice %arg1[%dma_start3A_51, %dma_start3A_52] : memref<100000x128xf32, #tpu.memory_space<hbm>> -> memref<2000x128xf32, #tpu.memory_space<hbm>>
    tpu.enqueue_dma source(%dma_start3A_53 : memref<2000x128xf32, #tpu.memory_space<hbm>>) target(%dma_start3A_50 : memref<2000x128xf32, #tpu.memory_space<vmem>>) target_semaphore(%dma_start3A_46 : memref<!tpu.dma_semaphore, #tpu.memory_space<semaphore_mem>>)
    %dma_start3A_54 = arith.constant 2 : i32
    %dma_start3A_55 = arith.constant 2 : i32
    %dma_start3A_56 = tpu.memref_slice %arg7[%dma_start3A_55] : memref<4x!tpu.dma_semaphore, #tpu.memory_space<semaphore_mem>> -> memref<1x!tpu.dma_semaphore, #tpu.memory_space<semaphore_mem>>
    %dma_start3A_57 = tpu.memref_squeeze %dma_start3A_56 : memref<1x!tpu.dma_semaphore, #tpu.memory_space<semaphore_mem>> -> memref<!tpu.dma_semaphore, #tpu.memory_space<semaphore_mem>>
    %dma_start3A_58 = arith.constant 0 : i32
    %dma_start3A_59 = arith.constant 0 : i32
    %dma_start3A_60 = tpu.memref_slice %arg5[%dma_start3A_54, %dma_start3A_58, %dma_start3A_59] : memref<4x2000x128xf32, #tpu.memory_space<vmem>> -> memref<1x2000x128xf32, #tpu.memory_space<vmem>>
    %dma_start3A_61 = tpu.memref_squeeze %dma_start3A_60 : memref<1x2000x128xf32, #tpu.memory_space<vmem>> -> memref<2000x128xf32, #tpu.memory_space<vmem>>
    %dma_start3A_62 = arith.constant 4000 : i32
    %dma_start3A_63 = arith.constant 0 : i32
    %dma_start3A_64 = tpu.memref_slice %arg2[%dma_start3A_62, %dma_start3A_63] : memref<100000x128xf32, #tpu.memory_space<hbm>> -> memref<2000x128xf32, #tpu.memory_space<hbm>>
    tpu.enqueue_dma source(%dma_start3A_64 : memref<2000x128xf32, #tpu.memory_space<hbm>>) target(%dma_start3A_61 : memref<2000x128xf32, #tpu.memory_space<vmem>>) target_semaphore(%dma_start3A_57 : memref<!tpu.dma_semaphore, #tpu.memory_space<semaphore_mem>>)
    %dma_start3A_65 = arith.constant 3 : i32
    %dma_start3A_66 = arith.constant 3 : i32
    %dma_start3A_67 = tpu.memref_slice %arg6[%dma_start3A_66] : memref<4x!tpu.dma_semaphore, #tpu.memory_space<semaphore_mem>> -> memref<1x!tpu.dma_semaphore, #tpu.memory_space<semaphore_mem>>
    %dma_start3A_68 = tpu.memref_squeeze %dma_start3A_67 : memref<1x!tpu.dma_semaphore, #tpu.memory_space<semaphore_mem>> -> memref<!tpu.dma_semaphore, #tpu.memory_space<semaphore_mem>>
    %dma_start3A_69 = arith.constant 0 : i32
    %dma_start3A_70 = arith.constant 0 : i32
    %dma_start3A_71 = tpu.memref_slice %arg4[%dma_start3A_65, %dma_start3A_69, %dma_start3A_70] : memref<4x2000x128xf32, #tpu.memory_space<vmem>> -> memref<1x2000x128xf32, #tpu.memory_space<vmem>>
    %dma_start3A_72 = tpu.memref_squeeze %dma_start3A_71 : memref<1x2000x128xf32, #tpu.memory_space<vmem>> -> memref<2000x128xf32, #tpu.memory_space<vmem>>
    %dma_start3A_73 = arith.constant 6000 : i32
    %dma_start3A_74 = arith.constant 0 : i32
    %dma_start3A_75 = tpu.memref_slice %arg1[%dma_start3A_73, %dma_start3A_74] : memref<100000x128xf32, #tpu.memory_space<hbm>> -> memref<2000x128xf32, #tpu.memory_space<hbm>>
    tpu.enqueue_dma source(%dma_start3A_75 : memref<2000x128xf32, #tpu.memory_space<hbm>>) target(%dma_start3A_72 : memref<2000x128xf32, #tpu.memory_space<vmem>>) target_semaphore(%dma_start3A_68 : memref<!tpu.dma_semaphore, #tpu.memory_space<semaphore_mem>>)
    %dma_start3A_76 = arith.constant 3 : i32
    %dma_start3A_77 = arith.constant 3 : i32
    %dma_start3A_78 = tpu.memref_slice %arg7[%dma_start3A_77] : memref<4x!tpu.dma_semaphore, #tpu.memory_space<semaphore_mem>> -> memref<1x!tpu.dma_semaphore, #tpu.memory_space<semaphore_mem>>
    %dma_start3A_79 = tpu.memref_squeeze %dma_start3A_78 : memref<1x!tpu.dma_semaphore, #tpu.memory_space<semaphore_mem>> -> memref<!tpu.dma_semaphore, #tpu.memory_space<semaphore_mem>>
    %dma_start3A_80 = arith.constant 0 : i32
    %dma_start3A_81 = arith.constant 0 : i32
    %dma_start3A_82 = tpu.memref_slice %arg5[%dma_start3A_76, %dma_start3A_80, %dma_start3A_81] : memref<4x2000x128xf32, #tpu.memory_space<vmem>> -> memref<1x2000x128xf32, #tpu.memory_space<vmem>>
    %dma_start3A_83 = tpu.memref_squeeze %dma_start3A_82 : memref<1x2000x128xf32, #tpu.memory_space<vmem>> -> memref<2000x128xf32, #tpu.memory_space<vmem>>
    %dma_start3A_84 = arith.constant 6000 : i32
    %dma_start3A_85 = arith.constant 0 : i32
    %dma_start3A_86 = tpu.memref_slice %arg2[%dma_start3A_84, %dma_start3A_85] : memref<100000x128xf32, #tpu.memory_space<hbm>> -> memref<2000x128xf32, #tpu.memory_space<hbm>>
    tpu.enqueue_dma source(%dma_start3A_86 : memref<2000x128xf32, #tpu.memory_space<hbm>>) target(%dma_start3A_83 : memref<2000x128xf32, #tpu.memory_space<vmem>>) target_semaphore(%dma_start3A_79 : memref<!tpu.dma_semaphore, #tpu.memory_space<semaphore_mem>>)
    %broadcast_in_dim3A = arith.constant 0.000000e+00 : f32
    %broadcast_in_dim3A_87 = vector.broadcast %broadcast_in_dim3A : f32 to vector<8x128xf32>
    %scan3A = arith.constant 0 : i32
    %scan3A_88 = arith.constant 12 : i32
    %scan3A_89 = arith.addi %scan3A, %scan3A_88 : i32
    %scan3A_90 = arith.constant 1 : i32
    %scan3A_91 = scf.for %scan3A_101 = %scan3A to %scan3A_89 step %scan3A_90 iter_args(%scan3A_102 = %broadcast_in_dim3A_87) -> (vector<8x128xf32>)  : i32 {
      %mul3A = arith.constant 4 : i32
      %mul3A_103 = arith.muli %scan3A_101, %mul3A : i32
      %add3A_104 = arith.constant 0 : i32
      %add3A_105 = arith.addi %mul3A_103, %add3A_104 : i32
      %mul3A_106 = arith.constant 2000 : i32
      %mul3A_107 = arith.muli %add3A_105, %mul3A_106 : i32
      %dma_wait3A = arith.constant 0 : i32
      %dma_wait3A_108 = arith.constant 0 : i32
      %dma_wait3A_109 = tpu.memref_slice %arg6[%dma_wait3A_108] : memref<4x!tpu.dma_semaphore, #tpu.memory_space<semaphore_mem>> -> memref<1x!tpu.dma_semaphore, #tpu.memory_space<semaphore_mem>>
      %dma_wait3A_110 = tpu.memref_squeeze %dma_wait3A_109 : memref<1x!tpu.dma_semaphore, #tpu.memory_space<semaphore_mem>> -> memref<!tpu.dma_semaphore, #tpu.memory_space<semaphore_mem>>
      %dma_wait3A_111 = arith.constant 0 : i32
      %dma_wait3A_112 = arith.constant 0 : i32
      %dma_wait3A_113 = tpu.memref_slice %arg4[%dma_wait3A, %dma_wait3A_111, %dma_wait3A_112] : memref<4x2000x128xf32, #tpu.memory_space<vmem>> -> memref<1x2000x128xf32, #tpu.memory_space<vmem>>
      %dma_wait3A_114 = tpu.memref_squeeze %dma_wait3A_113 : memref<1x2000x128xf32, #tpu.memory_space<vmem>> -> memref<2000x128xf32, #tpu.memory_space<vmem>>
      %dma_wait3A_115 = arith.constant 0 : i32
      %dma_wait3A_116 = tpu.memref_slice %arg1[%mul3A_107, %dma_wait3A_115] : memref<100000x128xf32, #tpu.memory_space<hbm>> -> memref<2000x128xf32, #tpu.memory_space<hbm>>
      tpu.wait_dma2 semaphore(%dma_wait3A_110 : memref<!tpu.dma_semaphore, #tpu.memory_space<semaphore_mem>>) src(%dma_wait3A_116 : memref<2000x128xf32, #tpu.memory_space<hbm>>) dst(%dma_wait3A_114 : memref<2000x128xf32, #tpu.memory_space<vmem>>)
      %mul3A_117 = arith.constant 2000 : i32
      %mul3A_118 = arith.muli %add3A_105, %mul3A_117 : i32
      %dma_wait3A_119 = arith.constant 0 : i32
      %dma_wait3A_120 = arith.constant 0 : i32
      %dma_wait3A_121 = tpu.memref_slice %arg7[%dma_wait3A_120] : memref<4x!tpu.dma_semaphore, #tpu.memory_space<semaphore_mem>> -> memref<1x!tpu.dma_semaphore, #tpu.memory_space<semaphore_mem>>
      %dma_wait3A_122 = tpu.memref_squeeze %dma_wait3A_121 : memref<1x!tpu.dma_semaphore, #tpu.memory_space<semaphore_mem>> -> memref<!tpu.dma_semaphore, #tpu.memory_space<semaphore_mem>>
      %dma_wait3A_123 = arith.constant 0 : i32
      %dma_wait3A_124 = arith.constant 0 : i32
      %dma_wait3A_125 = tpu.memref_slice %arg5[%dma_wait3A_119, %dma_wait3A_123, %dma_wait3A_124] : memref<4x2000x128xf32, #tpu.memory_space<vmem>> -> memref<1x2000x128xf32, #tpu.memory_space<vmem>>
      %dma_wait3A_126 = tpu.memref_squeeze %dma_wait3A_125 : memref<1x2000x128xf32, #tpu.memory_space<vmem>> -> memref<2000x128xf32, #tpu.memory_space<vmem>>
      %dma_wait3A_127 = arith.constant 0 : i32
      %dma_wait3A_128 = tpu.memref_slice %arg2[%mul3A_118, %dma_wait3A_127] : memref<100000x128xf32, #tpu.memory_space<hbm>> -> memref<2000x128xf32, #tpu.memory_space<hbm>>
      tpu.wait_dma2 semaphore(%dma_wait3A_122 : memref<!tpu.dma_semaphore, #tpu.memory_space<semaphore_mem>>) src(%dma_wait3A_128 : memref<2000x128xf32, #tpu.memory_space<hbm>>) dst(%dma_wait3A_126 : memref<2000x128xf32, #tpu.memory_space<vmem>>)
      %get3A_129 = arith.constant 0 : index
      %get3A_130 = arith.constant 0 : index
      %get3A_131 = arith.constant 0 : index
      %get3A_132 = vector.load %arg4[%get3A_129, %get3A_130, %get3A_131] : memref<4x2000x128xf32, #tpu.memory_space<vmem>>, vector<1x2000x128xf32>
      %get3A_133 = vector.shape_cast %get3A_132 : vector<1x2000x128xf32> to vector<2000x128xf32>
      %get3A_134 = arith.constant 0 : index
      %get3A_135 = arith.constant 0 : index
      %get3A_136 = arith.constant 0 : index
      %get3A_137 = vector.load %arg5[%get3A_134, %get3A_135, %get3A_136] : memref<4x2000x128xf32, #tpu.memory_space<vmem>>, vector<1x2000x128xf32>
      %get3A_138 = vector.shape_cast %get3A_137 : vector<1x2000x128xf32> to vector<2000x128xf32>
      %mul3A_139 = arith.mulf %get3A_133, %get3A_138 : vector<2000x128xf32>
      %mul3A_140 = arith.mulf %mul3A_139, %mul3A_139 : vector<2000x128xf32>
      %reshape3A_141 = vector.shape_cast %mul3A_140 : vector<2000x128xf32> to vector<250x8x128xf32>
      %reduce_sum3A_142 = arith.constant dense<0.000000e+00> : vector<8x128xf32>
      %reduce_sum3A_143 = vector.multi_reduction <add>, %reshape3A_141, %reduce_sum3A_142 [0] : vector<250x8x128xf32> to vector<8x128xf32>
      %add3A_144 = arith.constant 4 : i32
      %add3A_145 = arith.addi %add3A_105, %add3A_144 : i32
      %lt3A = arith.constant 48 : i32
      %lt3A_146 = arith.cmpi slt, %add3A_145, %lt3A : i32
      %convert_element_type3A_147 = arith.extui %lt3A_146 : i1 to i32
      %cond3A = arith.constant 0 : i32
      %cond3A_148 = arith.cmpi ne, %convert_element_type3A_147, %cond3A : i32
      scf.if %cond3A_148 {
        %mul3A_303 = arith.constant 2000 : i32
        %mul3A_304 = arith.muli %add3A_145, %mul3A_303 : i32
        %dma_start3A_305 = arith.constant 0 : i32
        %dma_start3A_306 = arith.constant 0 : i32
        %dma_start3A_307 = tpu.memref_slice %arg6[%dma_start3A_306] : memref<4x!tpu.dma_semaphore, #tpu.memory_space<semaphore_mem>> -> memref<1x!tpu.dma_semaphore, #tpu.memory_space<semaphore_mem>>
        %dma_start3A_308 = tpu.memref_squeeze %dma_start3A_307 : memref<1x!tpu.dma_semaphore, #tpu.memory_space<semaphore_mem>> -> memref<!tpu.dma_semaphore, #tpu.memory_space<semaphore_mem>>
        %dma_start3A_309 = arith.constant 0 : i32
        %dma_start3A_310 = arith.constant 0 : i32
        %dma_start3A_311 = tpu.memref_slice %arg4[%dma_start3A_305, %dma_start3A_309, %dma_start3A_310] : memref<4x2000x128xf32, #tpu.memory_space<vmem>> -> memref<1x2000x128xf32, #tpu.memory_space<vmem>>
        %dma_start3A_312 = tpu.memref_squeeze %dma_start3A_311 : memref<1x2000x128xf32, #tpu.memory_space<vmem>> -> memref<2000x128xf32, #tpu.memory_space<vmem>>
        %dma_start3A_313 = arith.constant 0 : i32
        %dma_start3A_314 = tpu.memref_slice %arg1[%mul3A_304, %dma_start3A_313] : memref<100000x128xf32, #tpu.memory_space<hbm>> -> memref<2000x128xf32, #tpu.memory_space<hbm>>
        tpu.enqueue_dma source(%dma_start3A_314 : memref<2000x128xf32, #tpu.memory_space<hbm>>) target(%dma_start3A_312 : memref<2000x128xf32, #tpu.memory_space<vmem>>) target_semaphore(%dma_start3A_308 : memref<!tpu.dma_semaphore, #tpu.memory_space<semaphore_mem>>)
        %mul3A_315 = arith.constant 2000 : i32
        %mul3A_316 = arith.muli %add3A_145, %mul3A_315 : i32
        %dma_start3A_317 = arith.constant 0 : i32
        %dma_start3A_318 = arith.constant 0 : i32
        %dma_start3A_319 = tpu.memref_slice %arg7[%dma_start3A_318] : memref<4x!tpu.dma_semaphore, #tpu.memory_space<semaphore_mem>> -> memref<1x!tpu.dma_semaphore, #tpu.memory_space<semaphore_mem>>
        %dma_start3A_320 = tpu.memref_squeeze %dma_start3A_319 : memref<1x!tpu.dma_semaphore, #tpu.memory_space<semaphore_mem>> -> memref<!tpu.dma_semaphore, #tpu.memory_space<semaphore_mem>>
        %dma_start3A_321 = arith.constant 0 : i32
        %dma_start3A_322 = arith.constant 0 : i32
        %dma_start3A_323 = tpu.memref_slice %arg5[%dma_start3A_317, %dma_start3A_321, %dma_start3A_322] : memref<4x2000x128xf32, #tpu.memory_space<vmem>> -> memref<1x2000x128xf32, #tpu.memory_space<vmem>>
        %dma_start3A_324 = tpu.memref_squeeze %dma_start3A_323 : memref<1x2000x128xf32, #tpu.memory_space<vmem>> -> memref<2000x128xf32, #tpu.memory_space<vmem>>
        %dma_start3A_325 = arith.constant 0 : i32
        %dma_start3A_326 = tpu.memref_slice %arg2[%mul3A_316, %dma_start3A_325] : memref<100000x128xf32, #tpu.memory_space<hbm>> -> memref<2000x128xf32, #tpu.memory_space<hbm>>
        tpu.enqueue_dma source(%dma_start3A_326 : memref<2000x128xf32, #tpu.memory_space<hbm>>) target(%dma_start3A_324 : memref<2000x128xf32, #tpu.memory_space<vmem>>) target_semaphore(%dma_start3A_320 : memref<!tpu.dma_semaphore, #tpu.memory_space<semaphore_mem>>)
      } else {
      }
      %add3A_149 = arith.addf %scan3A_102, %reduce_sum3A_143 : vector<8x128xf32>
      %mul3A_150 = arith.constant 4 : i32
      %mul3A_151 = arith.muli %scan3A_101, %mul3A_150 : i32
      %add3A_152 = arith.constant 1 : i32
      %add3A_153 = arith.addi %mul3A_151, %add3A_152 : i32
      %mul3A_154 = arith.constant 2000 : i32
      %mul3A_155 = arith.muli %add3A_153, %mul3A_154 : i32
      %dma_wait3A_156 = arith.constant 1 : i32
      %dma_wait3A_157 = arith.constant 1 : i32
      %dma_wait3A_158 = tpu.memref_slice %arg6[%dma_wait3A_157] : memref<4x!tpu.dma_semaphore, #tpu.memory_space<semaphore_mem>> -> memref<1x!tpu.dma_semaphore, #tpu.memory_space<semaphore_mem>>
      %dma_wait3A_159 = tpu.memref_squeeze %dma_wait3A_158 : memref<1x!tpu.dma_semaphore, #tpu.memory_space<semaphore_mem>> -> memref<!tpu.dma_semaphore, #tpu.memory_space<semaphore_mem>>
      %dma_wait3A_160 = arith.constant 0 : i32
      %dma_wait3A_161 = arith.constant 0 : i32
      %dma_wait3A_162 = tpu.memref_slice %arg4[%dma_wait3A_156, %dma_wait3A_160, %dma_wait3A_161] : memref<4x2000x128xf32, #tpu.memory_space<vmem>> -> memref<1x2000x128xf32, #tpu.memory_space<vmem>>
      %dma_wait3A_163 = tpu.memref_squeeze %dma_wait3A_162 : memref<1x2000x128xf32, #tpu.memory_space<vmem>> -> memref<2000x128xf32, #tpu.memory_space<vmem>>
      %dma_wait3A_164 = arith.constant 0 : i32
      %dma_wait3A_165 = tpu.memref_slice %arg1[%mul3A_155, %dma_wait3A_164] : memref<100000x128xf32, #tpu.memory_space<hbm>> -> memref<2000x128xf32, #tpu.memory_space<hbm>>
      tpu.wait_dma2 semaphore(%dma_wait3A_159 : memref<!tpu.dma_semaphore, #tpu.memory_space<semaphore_mem>>) src(%dma_wait3A_165 : memref<2000x128xf32, #tpu.memory_space<hbm>>) dst(%dma_wait3A_163 : memref<2000x128xf32, #tpu.memory_space<vmem>>)
      %mul3A_166 = arith.constant 2000 : i32
      %mul3A_167 = arith.muli %add3A_153, %mul3A_166 : i32
      %dma_wait3A_168 = arith.constant 1 : i32
      %dma_wait3A_169 = arith.constant 1 : i32
      %dma_wait3A_170 = tpu.memref_slice %arg7[%dma_wait3A_169] : memref<4x!tpu.dma_semaphore, #tpu.memory_space<semaphore_mem>> -> memref<1x!tpu.dma_semaphore, #tpu.memory_space<semaphore_mem>>
      %dma_wait3A_171 = tpu.memref_squeeze %dma_wait3A_170 : memref<1x!tpu.dma_semaphore, #tpu.memory_space<semaphore_mem>> -> memref<!tpu.dma_semaphore, #tpu.memory_space<semaphore_mem>>
      %dma_wait3A_172 = arith.constant 0 : i32
      %dma_wait3A_173 = arith.constant 0 : i32
      %dma_wait3A_174 = tpu.memref_slice %arg5[%dma_wait3A_168, %dma_wait3A_172, %dma_wait3A_173] : memref<4x2000x128xf32, #tpu.memory_space<vmem>> -> memref<1x2000x128xf32, #tpu.memory_space<vmem>>
      %dma_wait3A_175 = tpu.memref_squeeze %dma_wait3A_174 : memref<1x2000x128xf32, #tpu.memory_space<vmem>> -> memref<2000x128xf32, #tpu.memory_space<vmem>>
      %dma_wait3A_176 = arith.constant 0 : i32
      %dma_wait3A_177 = tpu.memref_slice %arg2[%mul3A_167, %dma_wait3A_176] : memref<100000x128xf32, #tpu.memory_space<hbm>> -> memref<2000x128xf32, #tpu.memory_space<hbm>>
      tpu.wait_dma2 semaphore(%dma_wait3A_171 : memref<!tpu.dma_semaphore, #tpu.memory_space<semaphore_mem>>) src(%dma_wait3A_177 : memref<2000x128xf32, #tpu.memory_space<hbm>>) dst(%dma_wait3A_175 : memref<2000x128xf32, #tpu.memory_space<vmem>>)
      %get3A_178 = arith.constant 1 : index
      %get3A_179 = arith.constant 0 : index
      %get3A_180 = arith.constant 0 : index
      %get3A_181 = vector.load %arg4[%get3A_178, %get3A_179, %get3A_180] : memref<4x2000x128xf32, #tpu.memory_space<vmem>>, vector<1x2000x128xf32>
      %get3A_182 = vector.shape_cast %get3A_181 : vector<1x2000x128xf32> to vector<2000x128xf32>
      %get3A_183 = arith.constant 1 : index
      %get3A_184 = arith.constant 0 : index
      %get3A_185 = arith.constant 0 : index
      %get3A_186 = vector.load %arg5[%get3A_183, %get3A_184, %get3A_185] : memref<4x2000x128xf32, #tpu.memory_space<vmem>>, vector<1x2000x128xf32>
      %get3A_187 = vector.shape_cast %get3A_186 : vector<1x2000x128xf32> to vector<2000x128xf32>
      %mul3A_188 = arith.mulf %get3A_182, %get3A_187 : vector<2000x128xf32>
      %mul3A_189 = arith.mulf %mul3A_188, %mul3A_188 : vector<2000x128xf32>
      %reshape3A_190 = vector.shape_cast %mul3A_189 : vector<2000x128xf32> to vector<250x8x128xf32>
      %reduce_sum3A_191 = arith.constant dense<0.000000e+00> : vector<8x128xf32>
      %reduce_sum3A_192 = vector.multi_reduction <add>, %reshape3A_190, %reduce_sum3A_191 [0] : vector<250x8x128xf32> to vector<8x128xf32>
      %add3A_193 = arith.constant 4 : i32
      %add3A_194 = arith.addi %add3A_153, %add3A_193 : i32
      %lt3A_195 = arith.constant 48 : i32
      %lt3A_196 = arith.cmpi slt, %add3A_194, %lt3A_195 : i32
      %convert_element_type3A_197 = arith.extui %lt3A_196 : i1 to i32
      %cond3A_198 = arith.constant 0 : i32
      %cond3A_199 = arith.cmpi ne, %convert_element_type3A_197, %cond3A_198 : i32
      scf.if %cond3A_199 {
        %mul3A_303 = arith.constant 2000 : i32
        %mul3A_304 = arith.muli %add3A_194, %mul3A_303 : i32
        %dma_start3A_305 = arith.constant 1 : i32
        %dma_start3A_306 = arith.constant 1 : i32
        %dma_start3A_307 = tpu.memref_slice %arg6[%dma_start3A_306] : memref<4x!tpu.dma_semaphore, #tpu.memory_space<semaphore_mem>> -> memref<1x!tpu.dma_semaphore, #tpu.memory_space<semaphore_mem>>
        %dma_start3A_308 = tpu.memref_squeeze %dma_start3A_307 : memref<1x!tpu.dma_semaphore, #tpu.memory_space<semaphore_mem>> -> memref<!tpu.dma_semaphore, #tpu.memory_space<semaphore_mem>>
        %dma_start3A_309 = arith.constant 0 : i32
        %dma_start3A_310 = arith.constant 0 : i32
        %dma_start3A_311 = tpu.memref_slice %arg4[%dma_start3A_305, %dma_start3A_309, %dma_start3A_310] : memref<4x2000x128xf32, #tpu.memory_space<vmem>> -> memref<1x2000x128xf32, #tpu.memory_space<vmem>>
        %dma_start3A_312 = tpu.memref_squeeze %dma_start3A_311 : memref<1x2000x128xf32, #tpu.memory_space<vmem>> -> memref<2000x128xf32, #tpu.memory_space<vmem>>
        %dma_start3A_313 = arith.constant 0 : i32
        %dma_start3A_314 = tpu.memref_slice %arg1[%mul3A_304, %dma_start3A_313] : memref<100000x128xf32, #tpu.memory_space<hbm>> -> memref<2000x128xf32, #tpu.memory_space<hbm>>
        tpu.enqueue_dma source(%dma_start3A_314 : memref<2000x128xf32, #tpu.memory_space<hbm>>) target(%dma_start3A_312 : memref<2000x128xf32, #tpu.memory_space<vmem>>) target_semaphore(%dma_start3A_308 : memref<!tpu.dma_semaphore, #tpu.memory_space<semaphore_mem>>)
        %mul3A_315 = arith.constant 2000 : i32
        %mul3A_316 = arith.muli %add3A_194, %mul3A_315 : i32
        %dma_start3A_317 = arith.constant 1 : i32
        %dma_start3A_318 = arith.constant 1 : i32
        %dma_start3A_319 = tpu.memref_slice %arg7[%dma_start3A_318] : memref<4x!tpu.dma_semaphore, #tpu.memory_space<semaphore_mem>> -> memref<1x!tpu.dma_semaphore, #tpu.memory_space<semaphore_mem>>
        %dma_start3A_320 = tpu.memref_squeeze %dma_start3A_319 : memref<1x!tpu.dma_semaphore, #tpu.memory_space<semaphore_mem>> -> memref<!tpu.dma_semaphore, #tpu.memory_space<semaphore_mem>>
        %dma_start3A_321 = arith.constant 0 : i32
        %dma_start3A_322 = arith.constant 0 : i32
        %dma_start3A_323 = tpu.memref_slice %arg5[%dma_start3A_317, %dma_start3A_321, %dma_start3A_322] : memref<4x2000x128xf32, #tpu.memory_space<vmem>> -> memref<1x2000x128xf32, #tpu.memory_space<vmem>>
        %dma_start3A_324 = tpu.memref_squeeze %dma_start3A_323 : memref<1x2000x128xf32, #tpu.memory_space<vmem>> -> memref<2000x128xf32, #tpu.memory_space<vmem>>
        %dma_start3A_325 = arith.constant 0 : i32
        %dma_start3A_326 = tpu.memref_slice %arg2[%mul3A_316, %dma_start3A_325] : memref<100000x128xf32, #tpu.memory_space<hbm>> -> memref<2000x128xf32, #tpu.memory_space<hbm>>
        tpu.enqueue_dma source(%dma_start3A_326 : memref<2000x128xf32, #tpu.memory_space<hbm>>) target(%dma_start3A_324 : memref<2000x128xf32, #tpu.memory_space<vmem>>) target_semaphore(%dma_start3A_320 : memref<!tpu.dma_semaphore, #tpu.memory_space<semaphore_mem>>)
      } else {
      }
      %add3A_200 = arith.addf %add3A_149, %reduce_sum3A_192 : vector<8x128xf32>
      %mul3A_201 = arith.constant 4 : i32
      %mul3A_202 = arith.muli %scan3A_101, %mul3A_201 : i32
      %add3A_203 = arith.constant 2 : i32
      %add3A_204 = arith.addi %mul3A_202, %add3A_203 : i32
      %mul3A_205 = arith.constant 2000 : i32
      %mul3A_206 = arith.muli %add3A_204, %mul3A_205 : i32
      %dma_wait3A_207 = arith.constant 2 : i32
      %dma_wait3A_208 = arith.constant 2 : i32
      %dma_wait3A_209 = tpu.memref_slice %arg6[%dma_wait3A_208] : memref<4x!tpu.dma_semaphore, #tpu.memory_space<semaphore_mem>> -> memref<1x!tpu.dma_semaphore, #tpu.memory_space<semaphore_mem>>
      %dma_wait3A_210 = tpu.memref_squeeze %dma_wait3A_209 : memref<1x!tpu.dma_semaphore, #tpu.memory_space<semaphore_mem>> -> memref<!tpu.dma_semaphore, #tpu.memory_space<semaphore_mem>>
      %dma_wait3A_211 = arith.constant 0 : i32
      %dma_wait3A_212 = arith.constant 0 : i32
      %dma_wait3A_213 = tpu.memref_slice %arg4[%dma_wait3A_207, %dma_wait3A_211, %dma_wait3A_212] : memref<4x2000x128xf32, #tpu.memory_space<vmem>> -> memref<1x2000x128xf32, #tpu.memory_space<vmem>>
      %dma_wait3A_214 = tpu.memref_squeeze %dma_wait3A_213 : memref<1x2000x128xf32, #tpu.memory_space<vmem>> -> memref<2000x128xf32, #tpu.memory_space<vmem>>
      %dma_wait3A_215 = arith.constant 0 : i32
      %dma_wait3A_216 = tpu.memref_slice %arg1[%mul3A_206, %dma_wait3A_215] : memref<100000x128xf32, #tpu.memory_space<hbm>> -> memref<2000x128xf32, #tpu.memory_space<hbm>>
      tpu.wait_dma2 semaphore(%dma_wait3A_210 : memref<!tpu.dma_semaphore, #tpu.memory_space<semaphore_mem>>) src(%dma_wait3A_216 : memref<2000x128xf32, #tpu.memory_space<hbm>>) dst(%dma_wait3A_214 : memref<2000x128xf32, #tpu.memory_space<vmem>>)
      %mul3A_217 = arith.constant 2000 : i32
      %mul3A_218 = arith.muli %add3A_204, %mul3A_217 : i32
      %dma_wait3A_219 = arith.constant 2 : i32
      %dma_wait3A_220 = arith.constant 2 : i32
      %dma_wait3A_221 = tpu.memref_slice %arg7[%dma_wait3A_220] : memref<4x!tpu.dma_semaphore, #tpu.memory_space<semaphore_mem>> -> memref<1x!tpu.dma_semaphore, #tpu.memory_space<semaphore_mem>>
      %dma_wait3A_222 = tpu.memref_squeeze %dma_wait3A_221 : memref<1x!tpu.dma_semaphore, #tpu.memory_space<semaphore_mem>> -> memref<!tpu.dma_semaphore, #tpu.memory_space<semaphore_mem>>
      %dma_wait3A_223 = arith.constant 0 : i32
      %dma_wait3A_224 = arith.constant 0 : i32
      %dma_wait3A_225 = tpu.memref_slice %arg5[%dma_wait3A_219, %dma_wait3A_223, %dma_wait3A_224] : memref<4x2000x128xf32, #tpu.memory_space<vmem>> -> memref<1x2000x128xf32, #tpu.memory_space<vmem>>
      %dma_wait3A_226 = tpu.memref_squeeze %dma_wait3A_225 : memref<1x2000x128xf32, #tpu.memory_space<vmem>> -> memref<2000x128xf32, #tpu.memory_space<vmem>>
      %dma_wait3A_227 = arith.constant 0 : i32
      %dma_wait3A_228 = tpu.memref_slice %arg2[%mul3A_218, %dma_wait3A_227] : memref<100000x128xf32, #tpu.memory_space<hbm>> -> memref<2000x128xf32, #tpu.memory_space<hbm>>
      tpu.wait_dma2 semaphore(%dma_wait3A_222 : memref<!tpu.dma_semaphore, #tpu.memory_space<semaphore_mem>>) src(%dma_wait3A_228 : memref<2000x128xf32, #tpu.memory_space<hbm>>) dst(%dma_wait3A_226 : memref<2000x128xf32, #tpu.memory_space<vmem>>)
      %get3A_229 = arith.constant 2 : index
      %get3A_230 = arith.constant 0 : index
      %get3A_231 = arith.constant 0 : index
      %get3A_232 = vector.load %arg4[%get3A_229, %get3A_230, %get3A_231] : memref<4x2000x128xf32, #tpu.memory_space<vmem>>, vector<1x2000x128xf32>
      %get3A_233 = vector.shape_cast %get3A_232 : vector<1x2000x128xf32> to vector<2000x128xf32>
      %get3A_234 = arith.constant 2 : index
      %get3A_235 = arith.constant 0 : index
      %get3A_236 = arith.constant 0 : index
      %get3A_237 = vector.load %arg5[%get3A_234, %get3A_235, %get3A_236] : memref<4x2000x128xf32, #tpu.memory_space<vmem>>, vector<1x2000x128xf32>
      %get3A_238 = vector.shape_cast %get3A_237 : vector<1x2000x128xf32> to vector<2000x128xf32>
      %mul3A_239 = arith.mulf %get3A_233, %get3A_238 : vector<2000x128xf32>
      %mul3A_240 = arith.mulf %mul3A_239, %mul3A_239 : vector<2000x128xf32>
      %reshape3A_241 = vector.shape_cast %mul3A_240 : vector<2000x128xf32> to vector<250x8x128xf32>
      %reduce_sum3A_242 = arith.constant dense<0.000000e+00> : vector<8x128xf32>
      %reduce_sum3A_243 = vector.multi_reduction <add>, %reshape3A_241, %reduce_sum3A_242 [0] : vector<250x8x128xf32> to vector<8x128xf32>
      %add3A_244 = arith.constant 4 : i32
      %add3A_245 = arith.addi %add3A_204, %add3A_244 : i32
      %lt3A_246 = arith.constant 48 : i32
      %lt3A_247 = arith.cmpi slt, %add3A_245, %lt3A_246 : i32
      %convert_element_type3A_248 = arith.extui %lt3A_247 : i1 to i32
      %cond3A_249 = arith.constant 0 : i32
      %cond3A_250 = arith.cmpi ne, %convert_element_type3A_248, %cond3A_249 : i32
      scf.if %cond3A_250 {
        %mul3A_303 = arith.constant 2000 : i32
        %mul3A_304 = arith.muli %add3A_245, %mul3A_303 : i32
        %dma_start3A_305 = arith.constant 2 : i32
        %dma_start3A_306 = arith.constant 2 : i32
        %dma_start3A_307 = tpu.memref_slice %arg6[%dma_start3A_306] : memref<4x!tpu.dma_semaphore, #tpu.memory_space<semaphore_mem>> -> memref<1x!tpu.dma_semaphore, #tpu.memory_space<semaphore_mem>>
        %dma_start3A_308 = tpu.memref_squeeze %dma_start3A_307 : memref<1x!tpu.dma_semaphore, #tpu.memory_space<semaphore_mem>> -> memref<!tpu.dma_semaphore, #tpu.memory_space<semaphore_mem>>
        %dma_start3A_309 = arith.constant 0 : i32
        %dma_start3A_310 = arith.constant 0 : i32
        %dma_start3A_311 = tpu.memref_slice %arg4[%dma_start3A_305, %dma_start3A_309, %dma_start3A_310] : memref<4x2000x128xf32, #tpu.memory_space<vmem>> -> memref<1x2000x128xf32, #tpu.memory_space<vmem>>
        %dma_start3A_312 = tpu.memref_squeeze %dma_start3A_311 : memref<1x2000x128xf32, #tpu.memory_space<vmem>> -> memref<2000x128xf32, #tpu.memory_space<vmem>>
        %dma_start3A_313 = arith.constant 0 : i32
        %dma_start3A_314 = tpu.memref_slice %arg1[%mul3A_304, %dma_start3A_313] : memref<100000x128xf32, #tpu.memory_space<hbm>> -> memref<2000x128xf32, #tpu.memory_space<hbm>>
        tpu.enqueue_dma source(%dma_start3A_314 : memref<2000x128xf32, #tpu.memory_space<hbm>>) target(%dma_start3A_312 : memref<2000x128xf32, #tpu.memory_space<vmem>>) target_semaphore(%dma_start3A_308 : memref<!tpu.dma_semaphore, #tpu.memory_space<semaphore_mem>>)
        %mul3A_315 = arith.constant 2000 : i32
        %mul3A_316 = arith.muli %add3A_245, %mul3A_315 : i32
        %dma_start3A_317 = arith.constant 2 : i32
        %dma_start3A_318 = arith.constant 2 : i32
        %dma_start3A_319 = tpu.memref_slice %arg7[%dma_start3A_318] : memref<4x!tpu.dma_semaphore, #tpu.memory_space<semaphore_mem>> -> memref<1x!tpu.dma_semaphore, #tpu.memory_space<semaphore_mem>>
        %dma_start3A_320 = tpu.memref_squeeze %dma_start3A_319 : memref<1x!tpu.dma_semaphore, #tpu.memory_space<semaphore_mem>> -> memref<!tpu.dma_semaphore, #tpu.memory_space<semaphore_mem>>
        %dma_start3A_321 = arith.constant 0 : i32
        %dma_start3A_322 = arith.constant 0 : i32
        %dma_start3A_323 = tpu.memref_slice %arg5[%dma_start3A_317, %dma_start3A_321, %dma_start3A_322] : memref<4x2000x128xf32, #tpu.memory_space<vmem>> -> memref<1x2000x128xf32, #tpu.memory_space<vmem>>
        %dma_start3A_324 = tpu.memref_squeeze %dma_start3A_323 : memref<1x2000x128xf32, #tpu.memory_space<vmem>> -> memref<2000x128xf32, #tpu.memory_space<vmem>>
        %dma_start3A_325 = arith.constant 0 : i32
        %dma_start3A_326 = tpu.memref_slice %arg2[%mul3A_316, %dma_start3A_325] : memref<100000x128xf32, #tpu.memory_space<hbm>> -> memref<2000x128xf32, #tpu.memory_space<hbm>>
        tpu.enqueue_dma source(%dma_start3A_326 : memref<2000x128xf32, #tpu.memory_space<hbm>>) target(%dma_start3A_324 : memref<2000x128xf32, #tpu.memory_space<vmem>>) target_semaphore(%dma_start3A_320 : memref<!tpu.dma_semaphore, #tpu.memory_space<semaphore_mem>>)
      } else {
      }
      %add3A_251 = arith.addf %add3A_200, %reduce_sum3A_243 : vector<8x128xf32>
      %mul3A_252 = arith.constant 4 : i32
      %mul3A_253 = arith.muli %scan3A_101, %mul3A_252 : i32
      %add3A_254 = arith.constant 3 : i32
      %add3A_255 = arith.addi %mul3A_253, %add3A_254 : i32
      %mul3A_256 = arith.constant 2000 : i32
      %mul3A_257 = arith.muli %add3A_255, %mul3A_256 : i32
      %dma_wait3A_258 = arith.constant 3 : i32
      %dma_wait3A_259 = arith.constant 3 : i32
      %dma_wait3A_260 = tpu.memref_slice %arg6[%dma_wait3A_259] : memref<4x!tpu.dma_semaphore, #tpu.memory_space<semaphore_mem>> -> memref<1x!tpu.dma_semaphore, #tpu.memory_space<semaphore_mem>>
      %dma_wait3A_261 = tpu.memref_squeeze %dma_wait3A_260 : memref<1x!tpu.dma_semaphore, #tpu.memory_space<semaphore_mem>> -> memref<!tpu.dma_semaphore, #tpu.memory_space<semaphore_mem>>
      %dma_wait3A_262 = arith.constant 0 : i32
      %dma_wait3A_263 = arith.constant 0 : i32
      %dma_wait3A_264 = tpu.memref_slice %arg4[%dma_wait3A_258, %dma_wait3A_262, %dma_wait3A_263] : memref<4x2000x128xf32, #tpu.memory_space<vmem>> -> memref<1x2000x128xf32, #tpu.memory_space<vmem>>
      %dma_wait3A_265 = tpu.memref_squeeze %dma_wait3A_264 : memref<1x2000x128xf32, #tpu.memory_space<vmem>> -> memref<2000x128xf32, #tpu.memory_space<vmem>>
      %dma_wait3A_266 = arith.constant 0 : i32
      %dma_wait3A_267 = tpu.memref_slice %arg1[%mul3A_257, %dma_wait3A_266] : memref<100000x128xf32, #tpu.memory_space<hbm>> -> memref<2000x128xf32, #tpu.memory_space<hbm>>
      tpu.wait_dma2 semaphore(%dma_wait3A_261 : memref<!tpu.dma_semaphore, #tpu.memory_space<semaphore_mem>>) src(%dma_wait3A_267 : memref<2000x128xf32, #tpu.memory_space<hbm>>) dst(%dma_wait3A_265 : memref<2000x128xf32, #tpu.memory_space<vmem>>)
      %mul3A_268 = arith.constant 2000 : i32
      %mul3A_269 = arith.muli %add3A_255, %mul3A_268 : i32
      %dma_wait3A_270 = arith.constant 3 : i32
      %dma_wait3A_271 = arith.constant 3 : i32
      %dma_wait3A_272 = tpu.memref_slice %arg7[%dma_wait3A_271] : memref<4x!tpu.dma_semaphore, #tpu.memory_space<semaphore_mem>> -> memref<1x!tpu.dma_semaphore, #tpu.memory_space<semaphore_mem>>
      %dma_wait3A_273 = tpu.memref_squeeze %dma_wait3A_272 : memref<1x!tpu.dma_semaphore, #tpu.memory_space<semaphore_mem>> -> memref<!tpu.dma_semaphore, #tpu.memory_space<semaphore_mem>>
      %dma_wait3A_274 = arith.constant 0 : i32
      %dma_wait3A_275 = arith.constant 0 : i32
      %dma_wait3A_276 = tpu.memref_slice %arg5[%dma_wait3A_270, %dma_wait3A_274, %dma_wait3A_275] : memref<4x2000x128xf32, #tpu.memory_space<vmem>> -> memref<1x2000x128xf32, #tpu.memory_space<vmem>>
      %dma_wait3A_277 = tpu.memref_squeeze %dma_wait3A_276 : memref<1x2000x128xf32, #tpu.memory_space<vmem>> -> memref<2000x128xf32, #tpu.memory_space<vmem>>
      %dma_wait3A_278 = arith.constant 0 : i32
      %dma_wait3A_279 = tpu.memref_slice %arg2[%mul3A_269, %dma_wait3A_278] : memref<100000x128xf32, #tpu.memory_space<hbm>> -> memref<2000x128xf32, #tpu.memory_space<hbm>>
      tpu.wait_dma2 semaphore(%dma_wait3A_273 : memref<!tpu.dma_semaphore, #tpu.memory_space<semaphore_mem>>) src(%dma_wait3A_279 : memref<2000x128xf32, #tpu.memory_space<hbm>>) dst(%dma_wait3A_277 : memref<2000x128xf32, #tpu.memory_space<vmem>>)
      %get3A_280 = arith.constant 3 : index
      %get3A_281 = arith.constant 0 : index
      %get3A_282 = arith.constant 0 : index
      %get3A_283 = vector.load %arg4[%get3A_280, %get3A_281, %get3A_282] : memref<4x2000x128xf32, #tpu.memory_space<vmem>>, vector<1x2000x128xf32>
      %get3A_284 = vector.shape_cast %get3A_283 : vector<1x2000x128xf32> to vector<2000x128xf32>
      %get3A_285 = arith.constant 3 : index
      %get3A_286 = arith.constant 0 : index
      %get3A_287 = arith.constant 0 : index
      %get3A_288 = vector.load %arg5[%get3A_285, %get3A_286, %get3A_287] : memref<4x2000x128xf32, #tpu.memory_space<vmem>>, vector<1x2000x128xf32>
      %get3A_289 = vector.shape_cast %get3A_288 : vector<1x2000x128xf32> to vector<2000x128xf32>
      %mul3A_290 = arith.mulf %get3A_284, %get3A_289 : vector<2000x128xf32>
      %mul3A_291 = arith.mulf %mul3A_290, %mul3A_290 : vector<2000x128xf32>
      %reshape3A_292 = vector.shape_cast %mul3A_291 : vector<2000x128xf32> to vector<250x8x128xf32>
      %reduce_sum3A_293 = arith.constant dense<0.000000e+00> : vector<8x128xf32>
      %reduce_sum3A_294 = vector.multi_reduction <add>, %reshape3A_292, %reduce_sum3A_293 [0] : vector<250x8x128xf32> to vector<8x128xf32>
      %add3A_295 = arith.constant 4 : i32
      %add3A_296 = arith.addi %add3A_255, %add3A_295 : i32
      %lt3A_297 = arith.constant 48 : i32
      %lt3A_298 = arith.cmpi slt, %add3A_296, %lt3A_297 : i32
      %convert_element_type3A_299 = arith.extui %lt3A_298 : i1 to i32
      %cond3A_300 = arith.constant 0 : i32
      %cond3A_301 = arith.cmpi ne, %convert_element_type3A_299, %cond3A_300 : i32
      scf.if %cond3A_301 {
        %mul3A_303 = arith.constant 2000 : i32
        %mul3A_304 = arith.muli %add3A_296, %mul3A_303 : i32
        %dma_start3A_305 = arith.constant 3 : i32
        %dma_start3A_306 = arith.constant 3 : i32
        %dma_start3A_307 = tpu.memref_slice %arg6[%dma_start3A_306] : memref<4x!tpu.dma_semaphore, #tpu.memory_space<semaphore_mem>> -> memref<1x!tpu.dma_semaphore, #tpu.memory_space<semaphore_mem>>
        %dma_start3A_308 = tpu.memref_squeeze %dma_start3A_307 : memref<1x!tpu.dma_semaphore, #tpu.memory_space<semaphore_mem>> -> memref<!tpu.dma_semaphore, #tpu.memory_space<semaphore_mem>>
        %dma_start3A_309 = arith.constant 0 : i32
        %dma_start3A_310 = arith.constant 0 : i32
        %dma_start3A_311 = tpu.memref_slice %arg4[%dma_start3A_305, %dma_start3A_309, %dma_start3A_310] : memref<4x2000x128xf32, #tpu.memory_space<vmem>> -> memref<1x2000x128xf32, #tpu.memory_space<vmem>>
        %dma_start3A_312 = tpu.memref_squeeze %dma_start3A_311 : memref<1x2000x128xf32, #tpu.memory_space<vmem>> -> memref<2000x128xf32, #tpu.memory_space<vmem>>
        %dma_start3A_313 = arith.constant 0 : i32
        %dma_start3A_314 = tpu.memref_slice %arg1[%mul3A_304, %dma_start3A_313] : memref<100000x128xf32, #tpu.memory_space<hbm>> -> memref<2000x128xf32, #tpu.memory_space<hbm>>
        tpu.enqueue_dma source(%dma_start3A_314 : memref<2000x128xf32, #tpu.memory_space<hbm>>) target(%dma_start3A_312 : memref<2000x128xf32, #tpu.memory_space<vmem>>) target_semaphore(%dma_start3A_308 : memref<!tpu.dma_semaphore, #tpu.memory_space<semaphore_mem>>)
        %mul3A_315 = arith.constant 2000 : i32
        %mul3A_316 = arith.muli %add3A_296, %mul3A_315 : i32
        %dma_start3A_317 = arith.constant 3 : i32
        %dma_start3A_318 = arith.constant 3 : i32
        %dma_start3A_319 = tpu.memref_slice %arg7[%dma_start3A_318] : memref<4x!tpu.dma_semaphore, #tpu.memory_space<semaphore_mem>> -> memref<1x!tpu.dma_semaphore, #tpu.memory_space<semaphore_mem>>
        %dma_start3A_320 = tpu.memref_squeeze %dma_start3A_319 : memref<1x!tpu.dma_semaphore, #tpu.memory_space<semaphore_mem>> -> memref<!tpu.dma_semaphore, #tpu.memory_space<semaphore_mem>>
        %dma_start3A_321 = arith.constant 0 : i32
        %dma_start3A_322 = arith.constant 0 : i32
        %dma_start3A_323 = tpu.memref_slice %arg5[%dma_start3A_317, %dma_start3A_321, %dma_start3A_322] : memref<4x2000x128xf32, #tpu.memory_space<vmem>> -> memref<1x2000x128xf32, #tpu.memory_space<vmem>>
        %dma_start3A_324 = tpu.memref_squeeze %dma_start3A_323 : memref<1x2000x128xf32, #tpu.memory_space<vmem>> -> memref<2000x128xf32, #tpu.memory_space<vmem>>
        %dma_start3A_325 = arith.constant 0 : i32
        %dma_start3A_326 = tpu.memref_slice %arg2[%mul3A_316, %dma_start3A_325] : memref<100000x128xf32, #tpu.memory_space<hbm>> -> memref<2000x128xf32, #tpu.memory_space<hbm>>
        tpu.enqueue_dma source(%dma_start3A_326 : memref<2000x128xf32, #tpu.memory_space<hbm>>) target(%dma_start3A_324 : memref<2000x128xf32, #tpu.memory_space<vmem>>) target_semaphore(%dma_start3A_320 : memref<!tpu.dma_semaphore, #tpu.memory_space<semaphore_mem>>)
      } else {
      }
      %add3A_302 = arith.addf %add3A_251, %reduce_sum3A_294 : vector<8x128xf32>
      scf.yield %add3A_302 : vector<8x128xf32>
    }
    %scan3A_92 = arith.constant 12 : i32
    %get3A = arith.constant 0 : index
    %get3A_93 = memref.load %arg0[%get3A] : memref<1xi32, #tpu.memory_space<smem>>
    %add3A = arith.constant 1 : i32
    %add3A_94 = arith.addi %get3A_93, %add3A : i32
    %convert_element_type3A = arith.sitofp %add3A_94 : i32 to f32
    %reduce_sum3A = vector.shape_cast %scan3A_91 : vector<8x128xf32> to vector<1x8x128xf32>
    %reduce_sum3A_95 = arith.constant dense<0.000000e+00> : vector<1xf32>
    %reduce_sum3A_96 = vector.multi_reduction <add>, %reduce_sum3A, %reduce_sum3A_95 [1, 2] : vector<1x8x128xf32> to vector<1xf32>
    %reduce_sum3A_97 = vector.shape_cast %reduce_sum3A_96 : vector<1xf32> to vector<1x1x1xf32>
    %reduce_sum3A_98 = vector.extract %reduce_sum3A_97[0, 0, 0] : f32 from vector<1x1x1xf32>
    %div3A = arith.divf %reduce_sum3A_98, %convert_element_type3A : f32
    %reshape3A = vector.broadcast %div3A : f32 to vector<1x1xf32>
    %swap3A = arith.constant 0 : index
    %swap3A_99 = arith.constant 0 : index
    %swap3A_100 = vector.load %arg3[%swap3A, %swap3A_99] : memref<1x1xf32, #tpu.memory_space<vmem>>, vector<1x1xf32>
    tpu.vector_store %arg3[%swap3A, %swap3A_99], %reshape3A {strides = array<i32>} : memref<1x1xf32, #tpu.memory_space<vmem>>, vector<1x1xf32>,
    return
  }
}

</mosaic_0001>

<sc_bundles>
// kernel: kernel.4.cloned.1.call-start
scs
__scs_entry_jumppad:
0x0: {  	(pc) =	sbr.rel $0x88, $3  }
0x1: {  	(tag) =	ssettag $0x0;
	lr =	simm.s32 $0x1  }
0x2: {  	[smem:$0x3F9E] =	sst lr;
	_ =	strace $0xD0000000  }
0x3: {  	_ = 	snop  }
0x4: {  	_ = 	snop  }
0x5: {  	_ = 	snop  }
0x6: {  	_ = 	snop  }
0x7: {  	_ = 	snop  }
__scs_overlays_trampoline_lowered:
0x8: {  	[smem:$0x3FAD] =	sst s0  }
0x9: {  	[smem:$0x3FAE] =	sst s1  }
0xa: {  	[smem:$0x3FAF] =	sst s2  }
0xb: {  	[smem:$0x3FB0] =	sst s3  }
0xc: {  	[smem:$0x3FB1] =	sst s4  }
0xd: {  	[smem:$0x3FB2] =	sst s5  }
0xe: {  	[smem:$0x3FB3] =	sst s6  }
0xf: {  	[smem:$0x3FB4] =	sst s7  }
0x10: {  	[smem:$0x3FB5] =	sst s8  }
0x11: {  	[smem:$0x3FB6] =	sst s9;
	s0 =	simm.s32 @!p0 $0x0  }
0x12: {  	s1 =	sld [smem:$0x3F9C];
	s0 =	simm.s32 @p0 $0x1  }
0x13: {  	[smem:$0x3FB7] =	sst s0;
	s0 =	simm.s32 @!p1 $0x0  }
0x14: {  	s2 =	sld [smem:$0x3F9B];
	s0 =	simm.s32 @p1 $0x1  }
0x15: {  	[smem:$0x3FB8] =	sst s0;
	s0 =	simm.s32 @!p2 $0x0  }
0x16: {  	s3 =	sld [smem:$0x3FDB];
	s0 =	simm.s32 @p2 $0x1  }
0x17: {  	s4 =	simm.s32 $0x1BF5;
	[smem:$0x3FBA] =	sst s0  }
0x18: {  	s0 =	sld [smem:$0x3F9D];
	_ =	swait.ge [sflag:s4], $0x0  }
0x19: {  	s7 =	sld [smem:$0x3F9E]  }
0x1a: {  	s8 =	sadd.s32 $0xFFFFE003, lr  }
0x1b: {  	s9 =	sadd.s32 $0xFFFFFEF7, lr;
	s5 =	simm.s32 $0xFFFFFFFF;
	p2 =	slt.u32 s8, $0xFFFFF086  }
0x1c: {  	p1 =	slt.u32 s9, $0xF7A;
	s5 =	simm.s32 @!p2 $0x0  }
0x1d: {  	s5 =	simm.s32 @p1 $0x1;
	p0 =	seq.s32 s7, s2  }
0x1e: {  	s7 =	smul.u32 @!p0 $0xF7A, s2;
	p2 =	seq.s32 @!p0 s5, $0x0  }
0x1f: {  	s9 =	smul.u32 $0xF7A, s1;
	s8 =	simm.s32 @!p0 $0x1BF5;
	p2 =	por !p2, p0  }
0x20: {  	[sflag:s8] =	ssyncset.s32 @!p0 $0xFFFFF086;
	s6 =	sadd.s32 @!p0 s3, s7;
	s7 =	simm.s32 @!p0 $0x108  }
0x21: {  	s3 =	sadd.s32 s3, s9;
	s6 =	sadd.s32 @!p0 $0x88, s6;
	s7 =	simm.s32 @p2 $0x1082  }
0x22: {  	[simem:s7], [sflag:s8] =	dma.local @!p0 [hbm:s6], $0xF7A  }
0x23: {  	s9 =	sor.u32 $0xD0000000, s2;
	s6 =	simm.s32 $0x108;
	_ =	swait.ge @!p0 [sflag:s8], $0x0  }
0x24: {  	s3 =	sadd.s32 $0x88, s3;
	s6 =	simm.s32 @!p1 $0x1082;
	[sflag:s4] =	ssyncset.s32 $0xFFFFF086  }
0x25: {  	[simem:s6], [sflag:s4] =	dma.local [hbm:s3], $0xF7A  }
0x26: {  	[smem:$0x3F9E] =	sst s1;
	(tag) =	ssettag s2;
	_ =	strace s9  }
0x27: {  	s1 =	sld [smem:$0x3FAE]  }
0x28: {  	s2 =	sld [smem:$0x3FAF]  }
0x29: {  	s4 =	sld [smem:$0x3FB1]  }
0x2a: {  	p0 =	seq.s32 s5, $0x0;
	s5 =	sld [smem:$0x3FB2]  }
0x2b: {  	s6 =	sld [smem:$0x3FB3]  }
0x2c: {  	s7 =	sld [smem:$0x3FB4]  }
0x2d: {  	s3 =	simm.s32 $0x108;
	s8 =	sld [smem:$0x3FB5]  }
0x2e: {  	s3 =	simm.s32 @!p0 $0x1082;
	s9 =	sld [smem:$0x3FB6]  }
0x2f: {  	lr =	sadd.s32 s0, s3;
	s0 =	sld [smem:$0x3FAD]  }
0x30: {  	s3 =	sld [smem:$0x3FB0]  }
0x31: {  	[smem:$0x3FB9] =	sst s10  }
0x32: {  	s10 =	sld [smem:$0x3FB7];
	_ =	sdelay $0x3  }
0x33: {  	p0 =	seq.s32 s10, $0x1;
	s10 =	sld [smem:$0x3FB9];
	_ =	sdelay $0x3  }
0x34: {  	[smem:$0x3FB9] =	sst s10  }
0x35: {  	s10 =	sld [smem:$0x3FB8];
	_ =	sdelay $0x3  }
0x36: {  	p1 =	seq.s32 s10, $0x1;
	s10 =	sld [smem:$0x3FB9];
	_ =	sdelay $0x3  }
0x37: {  	[smem:$0x3FB9] =	sst s10  }
0x38: {  	s10 =	sld [smem:$0x3FBA]  }
0x39: {  	_ = 	snop;
	(pc) =	sbr.ind lr, $3  }
0x3a: {  	_ = 	snop  }
0x3b: {  	_ = 	snop  }
0x3c: {  	p2 =	seq.s32 s10, $0x1;
	s10 =	sld [smem:$0x3FB9]  }
0x3d: {  	_ =	shalt  }
0x3e: {  	_ =	shalt  }
0x3f: {  	_ =	shalt  }
0x40: {  	_ =	shalt  }
0x41: {  	_ =	shalt  }
0x42: {  	_ =	shalt  }
0x43: {  	_ =	shalt  }
0x44: {  	_ =	shalt  }
0x45: {  	_ =	shalt  }
0x46: {  	_ =	shalt  }
0x47: {  	_ =	shalt  }
0x48: {  	_ =	shalt  }
0x49: {  	_ =	shalt  }
0x4a: {  	_ =	shalt  }
0x4b: {  	_ =	shalt  }
0x4c: {  	_ =	shalt  }
0x4d: {  	_ =	shalt  }
0x4e: {  	_ =	shalt  }
0x4f: {  	_ =	shalt  }
0x50: {  	_ =	shalt  }
0x51: {  	_ =	shalt  }
0x52: {  	_ =	shalt  }
0x53: {  	_ =	shalt  }
0x54: {  	_ =	shalt  }
0x55: {  	_ =	shalt  }
0x56: {  	_ =	shalt  }
0x57: {  	_ =	shalt  }
0x58: {  	_ =	shalt  }
0x59: {  	_ =	shalt  }
0x5a: {  	_ =	shalt  }
0x5b: {  	_ =	shalt  }
0x5c: {  	_ =	shalt  }
0x5d: {  	_ =	shalt  }
0x5e: {  	_ =	shalt  }
0x5f: {  	_ =	shalt  }
0x60: {  	_ =	shalt  }
0x61: {  	_ =	shalt  }
0x62: {  	_ =	shalt  }
0x63: {  	_ =	shalt  }
0x64: {  	_ =	shalt  }
0x65: {  	_ =	shalt  }
0x66: {  	_ =	shalt  }
0x67: {  	_ =	shalt  }
0x68: {  	_ =	shalt  }
0x69: {  	_ =	shalt  }
0x6a: {  	_ =	shalt  }
0x6b: {  	_ =	shalt  }
0x6c: {  	_ =	shalt  }
0x6d: {  	_ =	shalt  }
0x6e: {  	_ =	shalt  }
0x6f: {  	_ =	shalt  }
0x70: {  	_ =	shalt  }
0x71: {  	_ =	shalt  }
0x72: {  	_ =	shalt  }
0x73: {  	_ =	shalt  }
0x74: {  	_ =	shalt  }
0x75: {  	_ =	shalt  }
0x76: {  	_ =	shalt  }
0x77: {  	_ =	shalt  }
0x78: {  	_ =	shalt  }
0x79: {  	_ =	shalt  }
0x7a: {  	_ =	shalt  }
0x7b: {  	_ =	shalt  }
0x7c: {  	_ =	shalt  }
0x7d: {  	_ =	shalt  }
0x7e: {  	_ =	shalt  }
0x7f: {  	_ =	shalt  }
0x80: {  	_ =	shalt  }
0x81: {  	_ =	shalt  }
0x82: {  	_ =	shalt  }
0x83: {  	_ =	shalt  }
0x84: {  	_ =	shalt  }
0x85: {  	_ =	shalt  }
0x86: {  	_ =	shalt  }
0x87: {  	_ =	shalt  }
.Lfunc_end0:
.L_simem_size_0:
called_computation_lowered:
.L_overlay_start_0:
0x88: {  	s2 =	sld [smem:$0x3FD9]  }
0x89: {  	s3 =	sld [smem:$0x3FFE];
	_ =	sdelay $0x1  }
0x8a: {  	s1 =	srdreg.scid  }
0x8b: {  	s0 =	sand.u32 $0x1, s1  }
0x8c: {  	s17 =	sshll.u32 s0, $0xA;
	s2 =	sadd.s32 s3, s2  }
0x8d: {  	s2 =	sadd.s32 s2, s17  }
0x8e: {  	[smem:$0x3FC5] =	sst s2  }
0x8f: {  	_ = 	snop  }
0x90: {  	s2 =	sld [smem:$0x3FC9]  }
0x91: {  	s18 =	sld [smem:$0x3FC8];
	(tm) =	ssettm $0x1  }
0x92: {  	s4 =	sld [smem:$0x3FFB];
	_ =	sdelay $0x3  }
0x93: {  	_ =	strace s4  }
0x94: {  	s4 =	sld [smem:$0x3FFC];
	_ =	sdelay $0x3  }
0x95: {  	_ =	strace s4  }
0x96: {  	s4 =	sld [smem:$0x3FFD];
	_ =	sdelay $0x3  }
0x97: {  	_ =	strace s4  }
0x98: {  	_ =	strace $0x8FFFFFFF  }
0x99: {  	s19 =	sld [smem:$0x3FDB];
	_ =	sdelay $0x1  }
0x9a: {  	s5 =	simm.s32 $_scs_section_size  }
0x9b: {  	s6 =	simm.s32 $_size__tile_overlayer_lowered;
	s7 =	simm.s32 $_tile_overlayer_lowered  }
0x9c: {  	s22 =	simm.s32 $0x1BFF;
	s21 =	sshll.u32 s7, $0x1;
	s4 =	sadd.s32 s5, s19  }
0x9d: {  	s8 =	simm.s32 $0x0;
	s20 =	sshll.u32 s6, $0x1;
	s6 =	sadd.s32 s21, s4  }
0x9e: {  	[timem:s8], [sflag:s22] =	dma.local [hbm:s6], s20  }
0x9f: {  	_ =	swait.ge [sflag:s22], s20  }
0xa0: {  	s5 =	ssub.s32 $0x0, s20;
	[sflag:s22] =	ssyncset.done $0x0  }
0xa1: {  	[sflag:s22] =	ssyncadd.s32 s5;
	_ =	sdelay $0x1  }
0xa2: {  	s23 =	simm.s32 $0x1B8B  }
0xa3: {  	_ =	swait.ge [sflag:s23], $0x1  }
0xa4: {  	[sflag:s23] =	ssyncset.done $0x0  }
0xa5: {  	s25 =	simm.s32 $0x1B8E;
	s24 =	sld [smem:$0x3FFE];
	[sflag:s23] =	ssyncadd.s32 $0xFFFFFFFF  }
0xa6: {  	s26 =	simm.s32 $execute0_lowered;
	[smem:$0x3FD2] =	sst s25  }
0xa7: {  	s6 =	sshll.u32 s26, $0x1;
	_ =	strace $0x80000046;
	[dreg:$0x1] =	wrdreg $0xFFFFFFFF  }
0xa8: {  	s28 =	simm.s32 $_size_execute0_lowered;
	s4 =	sadd.s32 s4, s6;
	[dreg:$0x0] =	wrdreg $0x0  }
0xa9: {  	s6 =	sshll.u32 s28, $0x1;
	[dreg:$0x2] =	wrdreg s4  }
0xaa: {  	[dreg:$0x3] =	wrdreg s6  }
0xab: {  	[dreg:$0x4] =	wrdreg $0xC0  }
0xac: {  	_ =	task [dreg:s8], $0x5FFFF  }
0xad: {  	[dreg:$0x1] =	wrdreg $0xFFFFFFFF  }
0xae: {  	[dreg:$0x0] =	wrdreg $0x60  }
0xaf: {  	[dreg:$0x2] =	wrdreg s2  }
0xb0: {  	[dreg:$0x3] =	wrdreg s18  }
0xb1: {  	[dreg:$0x4] =	wrdreg s24  }
0xb2: {  	[dreg:$0x5] =	wrdreg $0x9  }
0xb3: {  	_ =	task.clear_ibuf [dreg:s8], $0x6FFFF;
	_ =	strace $0x90000046  }
0xb4: {  	s29 =	simm.s32 $0x9;
	_ =	strace $0x80000048  }
0xb5: {  	_ =	swait.ge [sflag:s29], $0x1  }
0xb6: {  	[sflag:s29] =	ssyncadd.s32 $0xFFFFFFFF  }
0xb7: {  	_ =	strace $0x90000048  }
0xb8: {  	_ =	sfence  }
0xb9: {  	s30 =	sld [smem:$0x0];
	_ =	sdelay $0x2  }
0xba: {  	s31 =	sshll.u32 s1, $0xD;
	s1 =	sshrl.u32 s1, $0x2  }
0xbb: {  	s3 =	sand.u32 $0x4000, s31;
	s1 =	sadd.s32 s1, s30  }
0xbc: {  	s0 =	sor.u32 s3, s0;
	s1 =	sshll.u32 s1, $0x11  }
0xbd: {  	s0 =	sor.u32 s1, s0  }
0xbe: {  	s0 =	sadd.s32 $0x8F2B, s0  }
0xbf: {  	[sflag:s0] =	ssyncadd.remote.s32 $0x1  }
0xc0: {  	_ =	sfence.sel $0xFFFF  }
0xc1: {  	[dreg:$0x0] =	wrdreg $0xFFFFFFFF;
	(pc) =	sbr.abs _section_cstart, $3  }
0xc2: {  	[dreg:$0x1] =	wrdreg $0xFFFFFFFF  }
0xc3: {  	_ =	task.clear_ibuf [dreg:s8], $0x2FFFF;
	_ =	strace $0x9FFFFFFF  }
0xc4: {  	(tm) =	ssettm $0x7FFFFFFF  }
0xc5: {  	_ =	shalt  }
tec
execute0_lowered:
.L_overlay_start_1:
0x0: {  	(tag) =	ssettag $0x1  }
0x1: {  	s1 =	srdreg.scid  }
0x2: {  	s0 =	stileid.u32;
	s3 =	rddreg [dreg:$0x0]  }
0x3: {  	s5 =	rddreg [dreg:$0x1];
	s4 =	sand.u32 $0x1, s1;
	s29 =	sshll.u32 s0, $0x1  }
0x4: {  	s7 =	rddreg [dreg:$0x2];
	s2 =	simm.s32 $0x0;
	s6 =	sor.u32 s4, s29  }
0x5: {  	s1 =	rddreg [dreg:$0x3];
	s4 =	ssub.s32 $0x2, s4;
	s8 =	smul.u32 $0x3E80, s6  }
0x6: {  	s10 =	simm.s32 $0x0;
	[smem:$0x7FF] =	sst s2;
	s9 =	sshrl.u32 s4, $0x1  }
0x7: {  	_ =	strace $0x80000047;
	s9 =	ssub.s32 s4, s9;
	s8 =	sshrl.u32 s8, $0x3  }
0x8: {  	s31 =	sshll.u32 s6, $0x1;
	s6 =	smax.u32 s9, $0x1;
	s30 =	sadd.s32 $0x177000, s8  }
0x9: {  	s9 =	simm.s32 $0x7D00;
	s8 =	simm.s32 $0x3E80;
	s3 =	sadd.s32 s3, s30  }
0xa: {  	s4 =	sadd.s32 s5, s30;
	s5 =	sadd.s32 s7, s31;
	s7 =	simm.s32 $0x1  }
.LBB2_1:
0xb: {  	[tilespmem:s2], [sflag:$0x1] =	stream.linear.gather [hbm4b:s3+s2], $0x3E80, $0x38;
	[tilespmem:$0x7D80] =	vst v63  }
0xc: {  	_ =	swait.ge [sflag:s7], $0x3E80  }
0xd: {  	[sflag:s7] =	ssyncset.done $0x0  }
0xe: {  	[sflag:s7] =	ssyncadd.s32 $0xFFFFC180  }
0xf: {  	[tilespmem:s8], [sflag:$0x1] =	stream.linear.gather [hbm4b:s4+s2], $0x3E80, $0x38;
	[tilespmem:$0x7D80] =	vst v63  }
0x10: {  	_ =	swait.ge [sflag:s7], $0x3E80  }
0x11: {  	[sflag:s7] =	ssyncset.done $0x0  }
0x12: {  	s12 =	simm.s32 $0x0;
	[sflag:s7] =	ssyncadd.s32 $0xFFFFC180  }
0x13: {  	v1 =	vld [tilespmem:s12+$0x0]  }
0x14: {  	v2 =	vld [tilespmem:s12+$0x3E80];
	_ =	sdelay $0x2  }
0x15: {  	v0 =	vimm.f32 $0.0e+00;
	s11 =	simm.s32 $0x40  }
.LBB2_2:
0x16: {  	s12 =	sshra.s32 s11, $0x2;
	p0 =	sne.s32 s11, $0xF9C0  }
.Ltmp0:
0x17: {  	s11 =	sadd.s32 $0x40, s11;
	v3 =	vmul.f32 v2, v1;
	v1 =	vld [tilespmem:s12+$0x0];
	(pc) =	sbr.rel @p0 .LBB2_2-.Ltmp0, $3  }
0x18: {  	v2 =	vld [tilespmem:s12+$0x3E80]  }
0x19: {  	v3 =	vmul.f32 v3, v3;
	_ =	sdelay $0x1  }
0x1a: {  	v0 =	vadd.f32 v3, v0  }
0x1b: {  	_ = 	snop  }
0x1c: {  	v1 =	vmul.f32 v2, v1;
	_ =	sdelay $0x1  }
0x1d: {  	v1 =	vmul.f32 v1, v1;
	_ =	sdelay $0x1  }
0x1e: {  	s10 =	sadd.s32 $0x1, s10;
	v0 =	vadd.f32 v1, v0  }
0x1f: {  	p0 =	sne.s32 s10, s6  }
.Ltmp1:
0x20: {  	[tilespmem:$0x7D00] =	vst v0;
	(pc) =	sbr.rel @p0 .LBB2_1-.Ltmp1, $4  }
0x21: {  	[hbm4b:s5+s2] =	stream.linear.scatter [tilespmem:s9], [sflag:$0x1], $0x10, $0x38;
	[tilespmem:$0x7D80] =	vst v63  }
0x22: {  	_ =	swait.ge [sflag:s7], $0x10  }
0x23: {  	[sflag:s7] =	ssyncset.done $0x0  }
0x24: {  	[sflag:s7] =	ssyncadd.s32 $0xFFFFFFF0  }
0x25: {  	_ =	sfence.sel $0x180000  }
0x26: {  	[bflag:$0x0] =	sbarrier.arrive $0xFFFF  }
0x27: {  	p0 =	sne.s32 s0, $0x0;
	_ =	strace $0x90000047  }
0x28: {  	s0 =	sadd.s32 @!p0 $0x100000, s1;
	[bflag:$0x2] =	sbarrier.arrive $0xFFFF  }
0x29: {  	[sflag:s0] =	ssyncadd.tile.s32 @!p0 $0x1;
	_ =	shalt  }
.Lfunc_end2:
_tile_overlayer_lowered:
.L_overlay_start_2:
0x2a: {  	(tag) =	ssettag $0x2  }
0x2b: {  	s0 =	rddreg [dreg:$0x0];
	s2 =	stileid.u32  }
0x2c: {  	s1 =	rddreg [dreg:$0x1];
	p0 =	sne.s32 s2, $0x0  }
0x2d: {  	s3 =	rddreg [dreg:$0x2];
	[bflag:$0x3] =	sbarrier.arrive $0xFFFF;
	s2 =	simm.s32 @!p0 $0x1C01  }
0x2e: {  	[timem:s3], [sflag:s2] =	dma.local @!p0 [hbm:s0], s1  }
0x2f: {  	s0 =	simm.s32 @!p0 $0x1  }
0x30: {  	_ =	swait.ge @!p0 [sflag:s0], s1  }
0x31: {  	s1 =	ssub.s32 @!p0 $0x0, s1;
	[sflag:s0] =	ssyncset.done @!p0 $0x0  }
0x32: {  	[sflag:s0] =	ssyncadd.s32 @!p0 s1  }
0x33: {  	[bflag:$0x3] =	sbarrier.arrive $0xFFFF  }
0x34: {  	_ =	shalt  }

</sc_bundles>
